<compile_context>
chip_gen: v7x
topology: tpu7x:2x2x1
jax: 0.10.2.dev20260603
libtpu: 0.0.44.dev20260713+nightly
codegen_flags: <defaults>
</compile_context>

<pallas_src>
import functools

import jax
import jax.numpy as jnp
from jax import lax
from jax.experimental import pallas as pl
from jax.experimental.pallas import tpu as pltpu
from jax.experimental.pallas import tpu_sc as plsc

_N_EMBEDS = 8192
_EMBED_DIM = 32
_BETA = 0.25
_TM = 2048
_TN = 2048
_NT = _N_EMBEDS // _TM
_NC = _N_EMBEDS // _TN

_NW = 32
_BPW = _N_EMBEDS // _NW
_L = 16


def _argmin_kernel(x_ref, emb_ref, idx_ref, part_ref):
    i = pl.program_id(0)
    xt = x_ref[...].reshape(_TM, _EMBED_DIM)
    rownorm = jnp.sum(xt ** 2, axis=1, keepdims=True)
    emb = emb_ref[...]

    m_run = jnp.full((_TM, 1), jnp.inf, jnp.float32)
    i_run = jnp.zeros((_TM, 1), jnp.float32)
    for c in range(_NC):
        emb_c = emb[:, c * _TN:(c + 1) * _TN]
        sim = lax.dot_general(xt, emb_c, (((1,), (0,)), ((), ())),
                              preferred_element_type=jnp.float32)
        enorm = jnp.sum(emb_c ** 2, axis=0, keepdims=True)
        d = rownorm + enorm - 2.0 * sim
        m_c = jnp.min(d, axis=1, keepdims=True)
        iota = lax.broadcasted_iota(jnp.int32, (_TM, _TN), 1).astype(jnp.float32)
        i_loc = jnp.min(jnp.where(d == m_c, iota, jnp.float32(1e9)),
                        axis=1, keepdims=True)
        upd = m_c < m_run
        m_run = jnp.where(upd, m_c, m_run)
        i_run = jnp.where(upd, i_loc + jnp.float32(c * _TN), i_run)

    idx_ref[...] = i_run.astype(jnp.int32)

    dmin_s = jnp.sum(m_run)
    x_s = jnp.sum(xt)

    @pl.when(i == 0)
    def _():
        part_ref[0, 0] = dmin_s
        part_ref[0, 1] = x_s

    @pl.when(i > 0)
    def _():
        part_ref[0, 0] += dmin_s
        part_ref[0, 1] += x_s


def _run_argmin(x4, emb):
    return pl.pallas_call(
        _argmin_kernel,
        grid=(_NT,),
        in_specs=[
            pl.BlockSpec((_TM // 1024, 32, 32, _EMBED_DIM), lambda i: (i, 0, 0, 0)),
            pl.BlockSpec((_EMBED_DIM, _N_EMBEDS), lambda i: (0, 0)),
        ],
        out_specs=[
            pl.BlockSpec((_TM, 1), lambda i: (i, 0)),
            pl.BlockSpec((1, 2), lambda i: (0, 0), memory_space=pltpu.SMEM),
        ],
        out_shape=[
            jax.ShapeDtypeStruct((_N_EMBEDS, 1), jnp.int32),
            jax.ShapeDtypeStruct((1, 2), jnp.float32),
        ],
    )(x4, emb)


def _sc_gather_st(table, idx, flat):
    mesh = plsc.VectorSubcoreMesh(core_axis_name="c", subcore_axis_name="s")

    @functools.partial(
        pl.kernel, mesh=mesh,
        out_type=[
            jax.ShapeDtypeStruct((_N_EMBEDS, _EMBED_DIM), jnp.float32),
            jax.ShapeDtypeStruct((_NW, _L), jnp.float32),
        ],
        compiler_params=pltpu.CompilerParams(use_tc_tiling_on_sc=False),
        scratch_types=[
            pltpu.VMEM((_BPW,), jnp.int32),
            pltpu.VMEM((_BPW, _EMBED_DIM), jnp.float32),
            pltpu.VMEM((_BPW, _EMBED_DIM), jnp.float32),
            pltpu.VMEM((_L,), jnp.float32),
            pltpu.SemaphoreType.DMA,
        ],
    )
    def k(table_hbm, idx_hbm, x_hbm, out_hbm, qsum_hbm,
          idx_v, rows_v, x_v, acc_v, sem):
        wid = lax.axis_index("s") * 2 + lax.axis_index("c")
        base = wid * _BPW
        pltpu.sync_copy(idx_hbm.at[pl.ds(base, _BPW)], idx_v)
        gather = pltpu.async_copy(table_hbm.at[idx_v], rows_v, sem)
        pltpu.sync_copy(x_hbm.at[pl.ds(base, _BPW)], x_v)
        gather.wait()

        acc_v[...] = jnp.zeros((_L,), jnp.float32)

        def body(r, acc):
            for h in range(_EMBED_DIM // _L):
                q = rows_v[r, h * _L:(h + 1) * _L]
                xv = x_v[r, h * _L:(h + 1) * _L]
                rows_v[r, h * _L:(h + 1) * _L] = xv + (q - xv)
                acc = acc + q
            return acc

        acc = lax.fori_loop(0, _BPW, body, acc_v[...])
        acc_v[...] = acc
        pltpu.sync_copy(rows_v, out_hbm.at[pl.ds(base, _BPW)])
        pltpu.sync_copy(acc_v, qsum_hbm.at[wid])

    return k(table, idx, flat)


def kernel(x, embeddings):
    in_shape = x.shape
    flat = x.reshape(-1, _EMBED_DIM)
    idx2, parts = _run_argmin(x, embeddings)
    out, qsum = _sc_gather_st(embeddings.T, idx2[:, 0], flat)
    n = jnp.float32(flat.shape[0] * _EMBED_DIM)
    commit = _BETA * ((jnp.sum(qsum) - parts[0, 1]) / n) ** 2
    codebook = parts[0, 0] / n
    loss = commit + codebook
    return out.reshape(in_shape), loss

# --- scband reference (transcript-rebuilt; emitter-appended) ---
"""Pipeline reference for scband-vector-quantiser-67705864454614 (READ-ONLY COPY).

The authoritative reference and input builder live on the scoring server;
editing this copy changes nothing except your own understanding.
"""

import jax, jax.numpy as jnp
import numpy as np

N_EMBEDS = 8192
EMBED_DIM = 32
BETA = 0.25


def setup_inputs(seed: int = 0) -> dict:
    key = jax.random.key(seed)
    k1, k2 = jax.random.split(key)
    x = jax.random.normal(k1, (8, 32, 32, 32), dtype=jnp.float32)
    # tf.random_uniform_initializer default range is [-0.05, 0.05]
    embeddings = jax.random.uniform(k2, (EMBED_DIM, N_EMBEDS), dtype=jnp.float32, minval=-0.05, maxval=0.05)
    return {"x": x, "embeddings": embeddings}


def reference(x, embeddings):
    in_shape = x.shape
    flat = x.reshape(-1, EMBED_DIM)
    # code_indices
    sim = flat @ embeddings
    dists = jnp.sum(flat ** 2, axis=1, keepdims=True) + jnp.sum(embeddings ** 2, axis=0) - 2.0 * sim
    enc_ind = jnp.argmin(dists, axis=1)
    enc = jax.nn.one_hot(enc_ind, N_EMBEDS, dtype=jnp.float32)
    qtised = enc @ embeddings.T
    qtised = qtised.reshape(in_shape)
    commit = BETA * jnp.mean(jax.lax.stop_gradient(qtised) - x) ** 2
    codebook = jnp.mean((qtised - jax.lax.stop_gradient(x)) ** 2)
    loss = commit + codebook
    qtised_st = x + jax.lax.stop_gradient(qtised - x)
    return qtised_st, loss

if __name__ == "__main__":
    import jax
    _d = setup_inputs()
    print(jax.jit(kernel)(*tuple(_d.values())))

</pallas_src>

<mosaic_0001>
#map = affine_map<(d0, d1) -> (0, 0)>
#map1 = affine_map<(d0, d1) -> (0)>
module attributes {stable_mosaic.version = 14 : i64} {
  func.func @k(%arg0: i32, %arg1: i32, %arg2: memref<8192x32xf32, #tpu.memory_space<hbm>>, %arg3: memref<8192xi32, #tpu.memory_space<hbm>>, %arg4: memref<8192x32xf32, #tpu.memory_space<hbm>>, %arg5: memref<8192x32xf32, #tpu.memory_space<hbm>>, %arg6: memref<32x16xf32, #tpu.memory_space<hbm>>, %arg7: memref<256xi32, #tpu.memory_space<vmem>>, %arg8: memref<256x32xf32, #tpu.memory_space<vmem>>, %arg9: memref<256x32xf32, #tpu.memory_space<vmem>>, %arg10: memref<16xf32, #tpu.memory_space<vmem>>, %arg11: memref<!tpu.dma_semaphore, #tpu.memory_space<semaphore_mem>>) attributes {dimension_semantics = [#tpu.dimension_semantics<core_parallel>, #tpu.dimension_semantics<subcore_parallel>], iteration_bounds = array<i64: 2, 16>, scalar_prefetch = 0 : i64, scratch_operands = 5 : i64, tpu.core_type = #tpu.core_type<sc_vector_subcore>, window_params = [{transform_indices = #map}, {transform_indices = #map1}, {transform_indices = #map}, {transform_indices = #map}, {transform_indices = #map}]} {
    %mul3A = arith.constant 2 : i32
    %mul3A_0 = arith.muli %arg1, %mul3A : i32
    %add3A = arith.addi %mul3A_0, %arg0 : i32
    %mul3A_1 = arith.constant 256 : i32
    %mul3A_2 = arith.muli %add3A, %mul3A_1 : i32
    "tpu.region"() ({
      %run_scoped3A = tpu.sem_alloc : memref<!tpu.dma_semaphore, #tpu.memory_space<semaphore_mem>>
      %dma_start3A_22 = tpu.memref_slice %arg3[%mul3A_2] : memref<8192xi32, #tpu.memory_space<hbm>> -> memref<256xi32, #tpu.memory_space<hbm>>
      %dma_start3A_23 = tpu.memref_slice %arg3[%mul3A_2] : memref<8192xi32, #tpu.memory_space<hbm>> -> memref<256xi32, #tpu.memory_space<hbm>>
      tpu.enqueue_dma source(%dma_start3A_23 : memref<256xi32, #tpu.memory_space<hbm>>) target(%arg7 : memref<256xi32, #tpu.memory_space<vmem>>) target_semaphore(%run_scoped3A : memref<!tpu.dma_semaphore, #tpu.memory_space<semaphore_mem>>)
      %dma_wait3A_24 = tpu.memref_slice %arg3[%mul3A_2] : memref<8192xi32, #tpu.memory_space<hbm>> -> memref<256xi32, #tpu.memory_space<hbm>>
      %dma_wait3A_25 = tpu.memref_slice %arg3[%mul3A_2] : memref<8192xi32, #tpu.memory_space<hbm>> -> memref<256xi32, #tpu.memory_space<hbm>>
      tpu.wait_dma2 semaphore(%run_scoped3A : memref<!tpu.dma_semaphore, #tpu.memory_space<semaphore_mem>>) src(%dma_wait3A_25 : memref<256xi32, #tpu.memory_space<hbm>>) dst(%arg7 : memref<256xi32, #tpu.memory_space<vmem>>)
      tpu.yield
    }) : () -> ()
    %dma_start3A = arith.constant 0 : i32
    %dma_start3A_3 = arith.constant 0 : i32
    %dma_start3A_4 = tpu.memref_slice %arg2[%dma_start3A, %dma_start3A_3] : memref<8192x32xf32, #tpu.memory_space<hbm>> -> memref<8192x32xf32, #tpu.memory_space<hbm>>
    tpu.enqueue_indirect_dma source(%dma_start3A_4 : memref<8192x32xf32, #tpu.memory_space<hbm>>) target(%arg8 : memref<256x32xf32, #tpu.memory_space<vmem>>) offsets(%arg7 : memref<256xi32, #tpu.memory_space<vmem>>) semaphore(%arg11 : memref<!tpu.dma_semaphore, #tpu.memory_space<semaphore_mem>>)
    "tpu.region"() ({
      %run_scoped3A = tpu.sem_alloc : memref<!tpu.dma_semaphore, #tpu.memory_space<semaphore_mem>>
      %dma_start3A_22 = arith.constant 0 : i32
      %dma_start3A_23 = tpu.memref_slice %arg4[%mul3A_2, %dma_start3A_22] : memref<8192x32xf32, #tpu.memory_space<hbm>> -> memref<256x32xf32, #tpu.memory_space<hbm>>
      %dma_start3A_24 = arith.constant 0 : i32
      %dma_start3A_25 = tpu.memref_slice %arg4[%mul3A_2, %dma_start3A_24] : memref<8192x32xf32, #tpu.memory_space<hbm>> -> memref<256x32xf32, #tpu.memory_space<hbm>>
      tpu.enqueue_dma source(%dma_start3A_25 : memref<256x32xf32, #tpu.memory_space<hbm>>) target(%arg9 : memref<256x32xf32, #tpu.memory_space<vmem>>) target_semaphore(%run_scoped3A : memref<!tpu.dma_semaphore, #tpu.memory_space<semaphore_mem>>)
      %dma_wait3A_26 = arith.constant 0 : i32
      %dma_wait3A_27 = tpu.memref_slice %arg4[%mul3A_2, %dma_wait3A_26] : memref<8192x32xf32, #tpu.memory_space<hbm>> -> memref<256x32xf32, #tpu.memory_space<hbm>>
      %dma_wait3A_28 = arith.constant 0 : i32
      %dma_wait3A_29 = tpu.memref_slice %arg4[%mul3A_2, %dma_wait3A_28] : memref<8192x32xf32, #tpu.memory_space<hbm>> -> memref<256x32xf32, #tpu.memory_space<hbm>>
      tpu.wait_dma2 semaphore(%run_scoped3A : memref<!tpu.dma_semaphore, #tpu.memory_space<semaphore_mem>>) src(%dma_wait3A_29 : memref<256x32xf32, #tpu.memory_space<hbm>>) dst(%arg9 : memref<256x32xf32, #tpu.memory_space<vmem>>)
      tpu.yield
    }) : () -> ()
    %dma_wait3A = arith.constant 0 : i32
    %dma_wait3A_5 = arith.constant 0 : i32
    %dma_wait3A_6 = tpu.memref_slice %arg2[%dma_wait3A, %dma_wait3A_5] : memref<8192x32xf32, #tpu.memory_space<hbm>> -> memref<8192x32xf32, #tpu.memory_space<hbm>>
    tpu.wait_indirect_dma semaphore(%arg11 : memref<!tpu.dma_semaphore, #tpu.memory_space<semaphore_mem>>) src(%dma_wait3A_6 : memref<8192x32xf32, #tpu.memory_space<hbm>>) dst(%arg8 : memref<256x32xf32, #tpu.memory_space<vmem>>)
    %broadcast_in_dim3A = arith.constant 0.000000e+00 : f32
    %broadcast_in_dim3A_7 = vector.broadcast %broadcast_in_dim3A : f32 to vector<16xf32>
    %swap3A = arith.constant 0 : index
    %swap3A_8 = tpu.vector_load %arg10[%swap3A] {strides = array<i32>} : memref<16xf32, #tpu.memory_space<vmem>>, vector<16xf32>,
    %swap3A_9 = vector.shape_cast %swap3A_8 : vector<16xf32> to vector<16xf32>
    %swap3A_10 = vector.shape_cast %broadcast_in_dim3A_7 : vector<16xf32> to vector<16xf32>
    tpu.vector_store %arg10[%swap3A], %swap3A_10 {strides = array<i32>} : memref<16xf32, #tpu.memory_space<vmem>>, vector<16xf32>,
    %get3A = arith.constant 0 : index
    %get3A_11 = tpu.vector_load %arg10[%get3A] {strides = array<i32>} : memref<16xf32, #tpu.memory_space<vmem>>, vector<16xf32>,
    %get3A_12 = vector.shape_cast %get3A_11 : vector<16xf32> to vector<16xf32>
    %scan3A = arith.constant 0 : i32
    %scan3A_13 = arith.constant 256 : i32
    %scan3A_14 = arith.addi %scan3A, %scan3A_13 : i32
    %scan3A_15 = arith.constant 1 : i32
    %scan3A_16 = scf.for %scan3A_22 = %scan3A to %scan3A_14 step %scan3A_15 iter_args(%scan3A_23 = %get3A_12) -> (vector<16xf32>)  : i32 {
      %get3A_24 = arith.index_cast %scan3A_22 : i32 to index
      %get3A_25 = arith.constant 0 : index
      %get3A_26 = tpu.vector_load %arg8[%get3A_24, %get3A_25] {strides = array<i32>} : memref<256x32xf32, #tpu.memory_space<vmem>>, vector<1x16xf32>,
      %get3A_27 = vector.shape_cast %get3A_26 : vector<1x16xf32> to vector<16xf32>
      %get3A_28 = arith.index_cast %scan3A_22 : i32 to index
      %get3A_29 = arith.constant 0 : index
      %get3A_30 = tpu.vector_load %arg9[%get3A_28, %get3A_29] {strides = array<i32>} : memref<256x32xf32, #tpu.memory_space<vmem>>, vector<1x16xf32>,
      %get3A_31 = vector.shape_cast %get3A_30 : vector<1x16xf32> to vector<16xf32>
      %sub3A = arith.subf %get3A_27, %get3A_31 : vector<16xf32>
      %add3A_32 = arith.addf %get3A_31, %sub3A : vector<16xf32>
      %swap3A_33 = arith.index_cast %scan3A_22 : i32 to index
      %swap3A_34 = arith.constant 0 : index
      %swap3A_35 = tpu.vector_load %arg8[%swap3A_33, %swap3A_34] {strides = array<i32>} : memref<256x32xf32, #tpu.memory_space<vmem>>, vector<1x16xf32>,
      %swap3A_36 = vector.shape_cast %swap3A_35 : vector<1x16xf32> to vector<16xf32>
      %swap3A_37 = vector.shape_cast %add3A_32 : vector<16xf32> to vector<1x16xf32>
      tpu.vector_store %arg8[%swap3A_33, %swap3A_34], %swap3A_37 {strides = array<i32>} : memref<256x32xf32, #tpu.memory_space<vmem>>, vector<1x16xf32>,
      %add3A_38 = arith.addf %scan3A_23, %get3A_27 : vector<16xf32>
      %get3A_39 = arith.index_cast %scan3A_22 : i32 to index
      %get3A_40 = arith.constant 16 : index
      %get3A_41 = tpu.vector_load %arg8[%get3A_39, %get3A_40] {strides = array<i32>} : memref<256x32xf32, #tpu.memory_space<vmem>>, vector<1x16xf32>,
      %get3A_42 = vector.shape_cast %get3A_41 : vector<1x16xf32> to vector<16xf32>
      %get3A_43 = arith.index_cast %scan3A_22 : i32 to index
      %get3A_44 = arith.constant 16 : index
      %get3A_45 = tpu.vector_load %arg9[%get3A_43, %get3A_44] {strides = array<i32>} : memref<256x32xf32, #tpu.memory_space<vmem>>, vector<1x16xf32>,
      %get3A_46 = vector.shape_cast %get3A_45 : vector<1x16xf32> to vector<16xf32>
      %sub3A_47 = arith.subf %get3A_42, %get3A_46 : vector<16xf32>
      %add3A_48 = arith.addf %get3A_46, %sub3A_47 : vector<16xf32>
      %swap3A_49 = arith.index_cast %scan3A_22 : i32 to index
      %swap3A_50 = arith.constant 16 : index
      %swap3A_51 = tpu.vector_load %arg8[%swap3A_49, %swap3A_50] {strides = array<i32>} : memref<256x32xf32, #tpu.memory_space<vmem>>, vector<1x16xf32>,
      %swap3A_52 = vector.shape_cast %swap3A_51 : vector<1x16xf32> to vector<16xf32>
      %swap3A_53 = vector.shape_cast %add3A_48 : vector<16xf32> to vector<1x16xf32>
      tpu.vector_store %arg8[%swap3A_49, %swap3A_50], %swap3A_53 {strides = array<i32>} : memref<256x32xf32, #tpu.memory_space<vmem>>, vector<1x16xf32>,
      %add3A_54 = arith.addf %add3A_38, %get3A_42 : vector<16xf32>
      scf.yield %add3A_54 : vector<16xf32>
    }
    %scan3A_17 = arith.constant 256 : i32
    %swap3A_18 = arith.constant 0 : index
    %swap3A_19 = tpu.vector_load %arg10[%swap3A_18] {strides = array<i32>} : memref<16xf32, #tpu.memory_space<vmem>>, vector<16xf32>,
    %swap3A_20 = vector.shape_cast %swap3A_19 : vector<16xf32> to vector<16xf32>
    %swap3A_21 = vector.shape_cast %scan3A_16 : vector<16xf32> to vector<16xf32>
    tpu.vector_store %arg10[%swap3A_18], %swap3A_21 {strides = array<i32>} : memref<16xf32, #tpu.memory_space<vmem>>, vector<16xf32>,
    "tpu.region"() ({
      %run_scoped3A = tpu.sem_alloc : memref<!tpu.dma_semaphore, #tpu.memory_space<semaphore_mem>>
      %dma_start3A_22 = arith.constant 0 : i32
      %dma_start3A_23 = tpu.memref_slice %arg5[%mul3A_2, %dma_start3A_22] : memref<8192x32xf32, #tpu.memory_space<hbm>> -> memref<256x32xf32, #tpu.memory_space<hbm>>
      %dma_start3A_24 = arith.constant 0 : i32
      %dma_start3A_25 = tpu.memref_slice %arg5[%mul3A_2, %dma_start3A_24] : memref<8192x32xf32, #tpu.memory_space<hbm>> -> memref<256x32xf32, #tpu.memory_space<hbm>>
      tpu.enqueue_dma source(%arg8 : memref<256x32xf32, #tpu.memory_space<vmem>>) target(%dma_start3A_25 : memref<256x32xf32, #tpu.memory_space<hbm>>) target_semaphore(%run_scoped3A : memref<!tpu.dma_semaphore, #tpu.memory_space<semaphore_mem>>)
      %dma_wait3A_26 = arith.constant 0 : i32
      %dma_wait3A_27 = tpu.memref_slice %arg5[%mul3A_2, %dma_wait3A_26] : memref<8192x32xf32, #tpu.memory_space<hbm>> -> memref<256x32xf32, #tpu.memory_space<hbm>>
      %dma_wait3A_28 = arith.constant 0 : i32
      %dma_wait3A_29 = tpu.memref_slice %arg5[%mul3A_2, %dma_wait3A_28] : memref<8192x32xf32, #tpu.memory_space<hbm>> -> memref<256x32xf32, #tpu.memory_space<hbm>>
      tpu.wait_dma2 semaphore(%run_scoped3A : memref<!tpu.dma_semaphore, #tpu.memory_space<semaphore_mem>>) src(%arg8 : memref<256x32xf32, #tpu.memory_space<vmem>>) dst(%dma_wait3A_29 : memref<256x32xf32, #tpu.memory_space<hbm>>)
      tpu.yield
    }) : () -> ()
    "tpu.region"() ({
      %run_scoped3A = tpu.sem_alloc : memref<!tpu.dma_semaphore, #tpu.memory_space<semaphore_mem>>
      %dma_start3A_22 = arith.constant 0 : i32
      %dma_start3A_23 = tpu.memref_slice %arg6[%add3A, %dma_start3A_22] : memref<32x16xf32, #tpu.memory_space<hbm>> -> memref<1x16xf32, #tpu.memory_space<hbm>>
      %dma_start3A_24 = tpu.memref_squeeze %dma_start3A_23 : memref<1x16xf32, #tpu.memory_space<hbm>> -> memref<16xf32, #tpu.memory_space<hbm>>
      %dma_start3A_25 = arith.constant 0 : i32
      %dma_start3A_26 = tpu.memref_slice %arg6[%add3A, %dma_start3A_25] : memref<32x16xf32, #tpu.memory_space<hbm>> -> memref<1x16xf32, #tpu.memory_space<hbm>>
      %dma_start3A_27 = tpu.memref_squeeze %dma_start3A_26 : memref<1x16xf32, #tpu.memory_space<hbm>> -> memref<16xf32, #tpu.memory_space<hbm>>
      tpu.enqueue_dma source(%arg10 : memref<16xf32, #tpu.memory_space<vmem>>) target(%dma_start3A_27 : memref<16xf32, #tpu.memory_space<hbm>>) target_semaphore(%run_scoped3A : memref<!tpu.dma_semaphore, #tpu.memory_space<semaphore_mem>>)
      %dma_wait3A_28 = arith.constant 0 : i32
      %dma_wait3A_29 = tpu.memref_slice %arg6[%add3A, %dma_wait3A_28] : memref<32x16xf32, #tpu.memory_space<hbm>> -> memref<1x16xf32, #tpu.memory_space<hbm>>
      %dma_wait3A_30 = tpu.memref_squeeze %dma_wait3A_29 : memref<1x16xf32, #tpu.memory_space<hbm>> -> memref<16xf32, #tpu.memory_space<hbm>>
      %dma_wait3A_31 = arith.constant 0 : i32
      %dma_wait3A_32 = tpu.memref_slice %arg6[%add3A, %dma_wait3A_31] : memref<32x16xf32, #tpu.memory_space<hbm>> -> memref<1x16xf32, #tpu.memory_space<hbm>>
      %dma_wait3A_33 = tpu.memref_squeeze %dma_wait3A_32 : memref<1x16xf32, #tpu.memory_space<hbm>> -> memref<16xf32, #tpu.memory_space<hbm>>
      tpu.wait_dma2 semaphore(%run_scoped3A : memref<!tpu.dma_semaphore, #tpu.memory_space<semaphore_mem>>) src(%arg10 : memref<16xf32, #tpu.memory_space<vmem>>) dst(%dma_wait3A_33 : memref<16xf32, #tpu.memory_space<hbm>>)
      tpu.yield
    }) : () -> ()
    return
  }
}

module attributes {stable_mosaic.version = 14 : i64} {
  func.func @_argmin_kernel(%arg0: i32, %arg1: memref<2x32x32x32xf32, #tpu.memory_space<vmem>>, %arg2: memref<32x8192xf32, #tpu.memory_space<vmem>>, %arg3: memref<2048x1xi32, #tpu.memory_space<vmem>>, %arg4: memref<1x2xf32, #tpu.memory_space<smem>>) attributes {dimension_semantics = [#tpu.dimension_semantics<arbitrary>], iteration_bounds = array<i64: 4>, scalar_prefetch = 0 : i64, scratch_operands = 0 : i64, tpu.core_type = #tpu.core_type<tc>, window_params = [{transform_indices = @transform_0, window_bounds = array<i64: 2, 32, 32, 32>}, {pipeline_mode = #tpu.pipeline_mode<synchronous>, transform_indices = @transform_1, window_bounds = array<i64: 32, 8192>}, {transform_indices = @transform_2, window_bounds = array<i64: 2048, 1>}, {transform_indices = @transform_3, window_bounds = array<i64: 1, 2>}]} {
    %get3A = arith.constant 0 : index
    %get3A_0 = arith.constant 0 : index
    %get3A_1 = arith.constant 0 : index
    %get3A_2 = arith.constant 0 : index
    %get3A_3 = vector.load %arg1[%get3A, %get3A_0, %get3A_1, %get3A_2] : memref<2x32x32x32xf32, #tpu.memory_space<vmem>>, vector<2x32x32x32xf32>
    %reshape3A = vector.shape_cast %get3A_3 : vector<2x32x32x32xf32> to vector<2048x32xf32>
    %integer_pow3A = arith.mulf %reshape3A, %reshape3A : vector<2048x32xf32>
    %reduce_sum3A = arith.constant dense<0.000000e+00> : vector<2048xf32>
    %reduce_sum3A_4 = vector.multi_reduction <add>, %integer_pow3A, %reduce_sum3A [1] : vector<2048x32xf32> to vector<2048xf32>
    %broadcast_in_dim3A = vector.shape_cast %reduce_sum3A_4 : vector<2048xf32> to vector<2048x1xf32>
    %get3A_5 = arith.constant 0 : index
    %get3A_6 = arith.constant 0 : index
    %get3A_7 = vector.load %arg2[%get3A_5, %get3A_6] : memref<32x8192xf32, #tpu.memory_space<vmem>>, vector<32x8192xf32>
    %broadcast_in_dim3A_8 = arith.constant 0x7F800000 : f32
    %broadcast_in_dim3A_9 = vector.broadcast %broadcast_in_dim3A_8 : f32 to vector<2048x1xf32>
    %broadcast_in_dim3A_10 = arith.constant 0.000000e+00 : f32
    %broadcast_in_dim3A_11 = vector.broadcast %broadcast_in_dim3A_10 : f32 to vector<2048x1xf32>
    %slice3A = vector.extract_strided_slice %get3A_7 {offsets = [0, 0], sizes = [32, 2048], strides = [1, 1]} : vector<32x8192xf32> to vector<32x2048xf32>
    %dot_general3A = arith.constant dense<0.000000e+00> : vector<2048x2048xf32>
    %dot_general3A_12 = tpu.matmul %reshape3A, %slice3A, %dot_general3A {dimension_numbers = #tpu.dot_dimension_numbers<[1], [0], [0], [1], [0, 0, 1, 1], [], []>, transpose_lhs_hint = false} : vector<2048x32xf32>, vector<32x2048xf32>, vector<2048x2048xf32> -> vector<2048x2048xf32>
    %integer_pow3A_13 = arith.mulf %slice3A, %slice3A : vector<32x2048xf32>
    %reduce_sum3A_14 = arith.constant dense<0.000000e+00> : vector<2048xf32>
    %reduce_sum3A_15 = vector.multi_reduction <add>, %integer_pow3A_13, %reduce_sum3A_14 [0] : vector<32x2048xf32> to vector<2048xf32>
    %broadcast_in_dim3A_16 = vector.shape_cast %reduce_sum3A_15 : vector<2048xf32> to vector<1x2048xf32>
    %add3A = vector.broadcast %broadcast_in_dim3A : vector<2048x1xf32> to vector<2048x2048xf32>
    %add3A_17 = vector.broadcast %broadcast_in_dim3A_16 : vector<1x2048xf32> to vector<2048x2048xf32>
    %add3A_18 = arith.addf %add3A, %add3A_17 : vector<2048x2048xf32>
    %mul3A = arith.constant 2.000000e+00 : f32
    %mul3A_19 = vector.broadcast %mul3A : f32 to vector<2048x2048xf32>
    %mul3A_20 = arith.mulf %mul3A_19, %dot_general3A_12 : vector<2048x2048xf32>
    %sub3A = arith.subf %add3A_18, %mul3A_20 : vector<2048x2048xf32>
    %reduce_min3A = arith.constant dense<0x7F800000> : vector<2048xf32>
    %reduce_min3A_21 = vector.multi_reduction <minimumf>, %sub3A, %reduce_min3A [1] : vector<2048x2048xf32> to vector<2048xf32>
    %broadcast_in_dim3A_22 = vector.shape_cast %reduce_min3A_21 : vector<2048xf32> to vector<2048x1xf32>
    %iota3A = tpu.iota {dimensions = array<i32: 1>} : vector<2048x2048xi32>
    %convert_element_type3A = arith.sitofp %iota3A : vector<2048x2048xi32> to vector<2048x2048xf32>
    %eq3A = vector.broadcast %broadcast_in_dim3A_22 : vector<2048x1xf32> to vector<2048x2048xf32>
    %eq3A_23 = arith.cmpf oeq, %sub3A, %eq3A : vector<2048x2048xf32>
    %jit3A = arith.constant 1.000000e+09 : f32
    %broadcast_in_dim3A_24 = vector.broadcast %jit3A : f32 to vector<2048x2048xf32>
    %select_n3A = arith.select %eq3A_23, %convert_element_type3A, %broadcast_in_dim3A_24 : vector<2048x2048xi1>, vector<2048x2048xf32>
    %reduce_min3A_25 = arith.constant dense<0x7F800000> : vector<2048xf32>
    %reduce_min3A_26 = vector.multi_reduction <minimumf>, %select_n3A, %reduce_min3A_25 [1] : vector<2048x2048xf32> to vector<2048xf32>
    %broadcast_in_dim3A_27 = vector.shape_cast %reduce_min3A_26 : vector<2048xf32> to vector<2048x1xf32>
    %lt3A = arith.cmpf olt, %broadcast_in_dim3A_22, %broadcast_in_dim3A_9 : vector<2048x1xf32>
    %select_n3A_28 = arith.select %lt3A, %broadcast_in_dim3A_22, %broadcast_in_dim3A_9 : vector<2048x1xi1>, vector<2048x1xf32>
    %add3A_29 = arith.constant 0.000000e+00 : f32
    %add3A_30 = vector.broadcast %add3A_29 : f32 to vector<2048x1xf32>
    %add3A_31 = arith.addf %broadcast_in_dim3A_27, %add3A_30 : vector<2048x1xf32>
    %select_n3A_32 = arith.select %lt3A, %add3A_31, %broadcast_in_dim3A_11 : vector<2048x1xi1>, vector<2048x1xf32>
    %slice3A_33 = vector.extract_strided_slice %get3A_7 {offsets = [0, 2048], sizes = [32, 2048], strides = [1, 1]} : vector<32x8192xf32> to vector<32x2048xf32>
    %dot_general3A_34 = arith.constant dense<0.000000e+00> : vector<2048x2048xf32>
    %dot_general3A_35 = tpu.matmul %reshape3A, %slice3A_33, %dot_general3A_34 {dimension_numbers = #tpu.dot_dimension_numbers<[1], [0], [0], [1], [0, 0, 1, 1], [], []>, transpose_lhs_hint = false} : vector<2048x32xf32>, vector<32x2048xf32>, vector<2048x2048xf32> -> vector<2048x2048xf32>
    %integer_pow3A_36 = arith.mulf %slice3A_33, %slice3A_33 : vector<32x2048xf32>
    %reduce_sum3A_37 = arith.constant dense<0.000000e+00> : vector<2048xf32>
    %reduce_sum3A_38 = vector.multi_reduction <add>, %integer_pow3A_36, %reduce_sum3A_37 [0] : vector<32x2048xf32> to vector<2048xf32>
    %broadcast_in_dim3A_39 = vector.shape_cast %reduce_sum3A_38 : vector<2048xf32> to vector<1x2048xf32>
    %add3A_40 = vector.broadcast %broadcast_in_dim3A : vector<2048x1xf32> to vector<2048x2048xf32>
    %add3A_41 = vector.broadcast %broadcast_in_dim3A_39 : vector<1x2048xf32> to vector<2048x2048xf32>
    %add3A_42 = arith.addf %add3A_40, %add3A_41 : vector<2048x2048xf32>
    %mul3A_43 = arith.constant 2.000000e+00 : f32
    %mul3A_44 = vector.broadcast %mul3A_43 : f32 to vector<2048x2048xf32>
    %mul3A_45 = arith.mulf %mul3A_44, %dot_general3A_35 : vector<2048x2048xf32>
    %sub3A_46 = arith.subf %add3A_42, %mul3A_45 : vector<2048x2048xf32>
    %reduce_min3A_47 = arith.constant dense<0x7F800000> : vector<2048xf32>
    %reduce_min3A_48 = vector.multi_reduction <minimumf>, %sub3A_46, %reduce_min3A_47 [1] : vector<2048x2048xf32> to vector<2048xf32>
    %broadcast_in_dim3A_49 = vector.shape_cast %reduce_min3A_48 : vector<2048xf32> to vector<2048x1xf32>
    %iota3A_50 = tpu.iota {dimensions = array<i32: 1>} : vector<2048x2048xi32>
    %convert_element_type3A_51 = arith.sitofp %iota3A_50 : vector<2048x2048xi32> to vector<2048x2048xf32>
    %eq3A_52 = vector.broadcast %broadcast_in_dim3A_49 : vector<2048x1xf32> to vector<2048x2048xf32>
    %eq3A_53 = arith.cmpf oeq, %sub3A_46, %eq3A_52 : vector<2048x2048xf32>
    %jit3A_54 = arith.constant 1.000000e+09 : f32
    %broadcast_in_dim3A_55 = vector.broadcast %jit3A_54 : f32 to vector<2048x2048xf32>
    %select_n3A_56 = arith.select %eq3A_53, %convert_element_type3A_51, %broadcast_in_dim3A_55 : vector<2048x2048xi1>, vector<2048x2048xf32>
    %reduce_min3A_57 = arith.constant dense<0x7F800000> : vector<2048xf32>
    %reduce_min3A_58 = vector.multi_reduction <minimumf>, %select_n3A_56, %reduce_min3A_57 [1] : vector<2048x2048xf32> to vector<2048xf32>
    %broadcast_in_dim3A_59 = vector.shape_cast %reduce_min3A_58 : vector<2048xf32> to vector<2048x1xf32>
    %lt3A_60 = arith.cmpf olt, %broadcast_in_dim3A_49, %select_n3A_28 : vector<2048x1xf32>
    %select_n3A_61 = arith.select %lt3A_60, %broadcast_in_dim3A_49, %select_n3A_28 : vector<2048x1xi1>, vector<2048x1xf32>
    %add3A_62 = arith.constant 2.048000e+03 : f32
    %add3A_63 = vector.broadcast %add3A_62 : f32 to vector<2048x1xf32>
    %add3A_64 = arith.addf %broadcast_in_dim3A_59, %add3A_63 : vector<2048x1xf32>
    %select_n3A_65 = arith.select %lt3A_60, %add3A_64, %select_n3A_32 : vector<2048x1xi1>, vector<2048x1xf32>
    %slice3A_66 = vector.extract_strided_slice %get3A_7 {offsets = [0, 4096], sizes = [32, 2048], strides = [1, 1]} : vector<32x8192xf32> to vector<32x2048xf32>
    %dot_general3A_67 = arith.constant dense<0.000000e+00> : vector<2048x2048xf32>
    %dot_general3A_68 = tpu.matmul %reshape3A, %slice3A_66, %dot_general3A_67 {dimension_numbers = #tpu.dot_dimension_numbers<[1], [0], [0], [1], [0, 0, 1, 1], [], []>, transpose_lhs_hint = false} : vector<2048x32xf32>, vector<32x2048xf32>, vector<2048x2048xf32> -> vector<2048x2048xf32>
    %integer_pow3A_69 = arith.mulf %slice3A_66, %slice3A_66 : vector<32x2048xf32>
    %reduce_sum3A_70 = arith.constant dense<0.000000e+00> : vector<2048xf32>
    %reduce_sum3A_71 = vector.multi_reduction <add>, %integer_pow3A_69, %reduce_sum3A_70 [0] : vector<32x2048xf32> to vector<2048xf32>
    %broadcast_in_dim3A_72 = vector.shape_cast %reduce_sum3A_71 : vector<2048xf32> to vector<1x2048xf32>
    %add3A_73 = vector.broadcast %broadcast_in_dim3A : vector<2048x1xf32> to vector<2048x2048xf32>
    %add3A_74 = vector.broadcast %broadcast_in_dim3A_72 : vector<1x2048xf32> to vector<2048x2048xf32>
    %add3A_75 = arith.addf %add3A_73, %add3A_74 : vector<2048x2048xf32>
    %mul3A_76 = arith.constant 2.000000e+00 : f32
    %mul3A_77 = vector.broadcast %mul3A_76 : f32 to vector<2048x2048xf32>
    %mul3A_78 = arith.mulf %mul3A_77, %dot_general3A_68 : vector<2048x2048xf32>
    %sub3A_79 = arith.subf %add3A_75, %mul3A_78 : vector<2048x2048xf32>
    %reduce_min3A_80 = arith.constant dense<0x7F800000> : vector<2048xf32>
    %reduce_min3A_81 = vector.multi_reduction <minimumf>, %sub3A_79, %reduce_min3A_80 [1] : vector<2048x2048xf32> to vector<2048xf32>
    %broadcast_in_dim3A_82 = vector.shape_cast %reduce_min3A_81 : vector<2048xf32> to vector<2048x1xf32>
    %iota3A_83 = tpu.iota {dimensions = array<i32: 1>} : vector<2048x2048xi32>
    %convert_element_type3A_84 = arith.sitofp %iota3A_83 : vector<2048x2048xi32> to vector<2048x2048xf32>
    %eq3A_85 = vector.broadcast %broadcast_in_dim3A_82 : vector<2048x1xf32> to vector<2048x2048xf32>
    %eq3A_86 = arith.cmpf oeq, %sub3A_79, %eq3A_85 : vector<2048x2048xf32>
    %jit3A_87 = arith.constant 1.000000e+09 : f32
    %broadcast_in_dim3A_88 = vector.broadcast %jit3A_87 : f32 to vector<2048x2048xf32>
    %select_n3A_89 = arith.select %eq3A_86, %convert_element_type3A_84, %broadcast_in_dim3A_88 : vector<2048x2048xi1>, vector<2048x2048xf32>
    %reduce_min3A_90 = arith.constant dense<0x7F800000> : vector<2048xf32>
    %reduce_min3A_91 = vector.multi_reduction <minimumf>, %select_n3A_89, %reduce_min3A_90 [1] : vector<2048x2048xf32> to vector<2048xf32>
    %broadcast_in_dim3A_92 = vector.shape_cast %reduce_min3A_91 : vector<2048xf32> to vector<2048x1xf32>
    %lt3A_93 = arith.cmpf olt, %broadcast_in_dim3A_82, %select_n3A_61 : vector<2048x1xf32>
    %select_n3A_94 = arith.select %lt3A_93, %broadcast_in_dim3A_82, %select_n3A_61 : vector<2048x1xi1>, vector<2048x1xf32>
    %add3A_95 = arith.constant 4.096000e+03 : f32
    %add3A_96 = vector.broadcast %add3A_95 : f32 to vector<2048x1xf32>
    %add3A_97 = arith.addf %broadcast_in_dim3A_92, %add3A_96 : vector<2048x1xf32>
    %select_n3A_98 = arith.select %lt3A_93, %add3A_97, %select_n3A_65 : vector<2048x1xi1>, vector<2048x1xf32>
    %slice3A_99 = vector.extract_strided_slice %get3A_7 {offsets = [0, 6144], sizes = [32, 2048], strides = [1, 1]} : vector<32x8192xf32> to vector<32x2048xf32>
    %dot_general3A_100 = arith.constant dense<0.000000e+00> : vector<2048x2048xf32>
    %dot_general3A_101 = tpu.matmul %reshape3A, %slice3A_99, %dot_general3A_100 {dimension_numbers = #tpu.dot_dimension_numbers<[1], [0], [0], [1], [0, 0, 1, 1], [], []>, transpose_lhs_hint = false} : vector<2048x32xf32>, vector<32x2048xf32>, vector<2048x2048xf32> -> vector<2048x2048xf32>
    %integer_pow3A_102 = arith.mulf %slice3A_99, %slice3A_99 : vector<32x2048xf32>
    %reduce_sum3A_103 = arith.constant dense<0.000000e+00> : vector<2048xf32>
    %reduce_sum3A_104 = vector.multi_reduction <add>, %integer_pow3A_102, %reduce_sum3A_103 [0] : vector<32x2048xf32> to vector<2048xf32>
    %broadcast_in_dim3A_105 = vector.shape_cast %reduce_sum3A_104 : vector<2048xf32> to vector<1x2048xf32>
    %add3A_106 = vector.broadcast %broadcast_in_dim3A : vector<2048x1xf32> to vector<2048x2048xf32>
    %add3A_107 = vector.broadcast %broadcast_in_dim3A_105 : vector<1x2048xf32> to vector<2048x2048xf32>
    %add3A_108 = arith.addf %add3A_106, %add3A_107 : vector<2048x2048xf32>
    %mul3A_109 = arith.constant 2.000000e+00 : f32
    %mul3A_110 = vector.broadcast %mul3A_109 : f32 to vector<2048x2048xf32>
    %mul3A_111 = arith.mulf %mul3A_110, %dot_general3A_101 : vector<2048x2048xf32>
    %sub3A_112 = arith.subf %add3A_108, %mul3A_111 : vector<2048x2048xf32>
    %reduce_min3A_113 = arith.constant dense<0x7F800000> : vector<2048xf32>
    %reduce_min3A_114 = vector.multi_reduction <minimumf>, %sub3A_112, %reduce_min3A_113 [1] : vector<2048x2048xf32> to vector<2048xf32>
    %broadcast_in_dim3A_115 = vector.shape_cast %reduce_min3A_114 : vector<2048xf32> to vector<2048x1xf32>
    %iota3A_116 = tpu.iota {dimensions = array<i32: 1>} : vector<2048x2048xi32>
    %convert_element_type3A_117 = arith.sitofp %iota3A_116 : vector<2048x2048xi32> to vector<2048x2048xf32>
    %eq3A_118 = vector.broadcast %broadcast_in_dim3A_115 : vector<2048x1xf32> to vector<2048x2048xf32>
    %eq3A_119 = arith.cmpf oeq, %sub3A_112, %eq3A_118 : vector<2048x2048xf32>
    %jit3A_120 = arith.constant 1.000000e+09 : f32
    %broadcast_in_dim3A_121 = vector.broadcast %jit3A_120 : f32 to vector<2048x2048xf32>
    %select_n3A_122 = arith.select %eq3A_119, %convert_element_type3A_117, %broadcast_in_dim3A_121 : vector<2048x2048xi1>, vector<2048x2048xf32>
    %reduce_min3A_123 = arith.constant dense<0x7F800000> : vector<2048xf32>
    %reduce_min3A_124 = vector.multi_reduction <minimumf>, %select_n3A_122, %reduce_min3A_123 [1] : vector<2048x2048xf32> to vector<2048xf32>
    %broadcast_in_dim3A_125 = vector.shape_cast %reduce_min3A_124 : vector<2048xf32> to vector<2048x1xf32>
    %lt3A_126 = arith.cmpf olt, %broadcast_in_dim3A_115, %select_n3A_94 : vector<2048x1xf32>
    %select_n3A_127 = arith.select %lt3A_126, %broadcast_in_dim3A_115, %select_n3A_94 : vector<2048x1xi1>, vector<2048x1xf32>
    %add3A_128 = arith.constant 6.144000e+03 : f32
    %add3A_129 = vector.broadcast %add3A_128 : f32 to vector<2048x1xf32>
    %add3A_130 = arith.addf %broadcast_in_dim3A_125, %add3A_129 : vector<2048x1xf32>
    %select_n3A_131 = arith.select %lt3A_126, %add3A_130, %select_n3A_98 : vector<2048x1xi1>, vector<2048x1xf32>
    %convert_element_type3A_132 = arith.fptosi %select_n3A_131 : vector<2048x1xf32> to vector<2048x1xi32>
    %swap3A = arith.constant 0 : index
    %swap3A_133 = arith.constant 0 : index
    %swap3A_134 = vector.load %arg3[%swap3A, %swap3A_133] : memref<2048x1xi32, #tpu.memory_space<vmem>>, vector<2048x1xi32>
    tpu.vector_store %arg3[%swap3A, %swap3A_133], %convert_element_type3A_132 {strides = array<i32>} : memref<2048x1xi32, #tpu.memory_space<vmem>>, vector<2048x1xi32>,
    %reduce_sum3A_135 = vector.shape_cast %select_n3A_127 : vector<2048x1xf32> to vector<1x2048x1xf32>
    %reduce_sum3A_136 = arith.constant dense<0.000000e+00> : vector<1xf32>
    %reduce_sum3A_137 = vector.multi_reduction <add>, %reduce_sum3A_135, %reduce_sum3A_136 [1, 2] : vector<1x2048x1xf32> to vector<1xf32>
    %reduce_sum3A_138 = vector.shape_cast %reduce_sum3A_137 : vector<1xf32> to vector<1x1x1xf32>
    %reduce_sum3A_139 = vector.extract %reduce_sum3A_138[0, 0, 0] : f32 from vector<1x1x1xf32>
    %reduce_sum3A_140 = vector.shape_cast %reshape3A : vector<2048x32xf32> to vector<1x2048x32xf32>
    %reduce_sum3A_141 = arith.constant dense<0.000000e+00> : vector<1xf32>
    %reduce_sum3A_142 = vector.multi_reduction <add>, %reduce_sum3A_140, %reduce_sum3A_141 [1, 2] : vector<1x2048x32xf32> to vector<1xf32>
    %reduce_sum3A_143 = vector.shape_cast %reduce_sum3A_142 : vector<1xf32> to vector<1x1x1xf32>
    %reduce_sum3A_144 = vector.extract %reduce_sum3A_143[0, 0, 0] : f32 from vector<1x1x1xf32>
    %eq3A_145 = arith.constant 0 : i32
    %eq3A_146 = arith.cmpi eq, %arg0, %eq3A_145 : i32
    %convert_element_type3A_147 = arith.extui %eq3A_146 : i1 to i32
    %cond3A = arith.constant 0 : i32
    %cond3A_148 = arith.cmpi ne, %convert_element_type3A_147, %cond3A : i32
    scf.if %cond3A_148 {
      %swap3A_153 = arith.constant 0 : index
      %swap3A_154 = arith.constant 0 : index
      %swap3A_155 = memref.load %arg4[%swap3A_153, %swap3A_154] : memref<1x2xf32, #tpu.memory_space<smem>>
      memref.store %reduce_sum3A_139, %arg4[%swap3A_153, %swap3A_154] : memref<1x2xf32, #tpu.memory_space<smem>>
      %swap3A_156 = arith.constant 0 : index
      %swap3A_157 = arith.constant 1 : index
      %swap3A_158 = memref.load %arg4[%swap3A_156, %swap3A_157] : memref<1x2xf32, #tpu.memory_space<smem>>
      memref.store %reduce_sum3A_144, %arg4[%swap3A_156, %swap3A_157] : memref<1x2xf32, #tpu.memory_space<smem>>
    } else {
    }
    %gt3A = arith.constant 0 : i32
    %gt3A_149 = arith.cmpi sgt, %arg0, %gt3A : i32
    %convert_element_type3A_150 = arith.extui %gt3A_149 : i1 to i32
    %cond3A_151 = arith.constant 0 : i32
    %cond3A_152 = arith.cmpi ne, %convert_element_type3A_150, %cond3A_151 : i32
    scf.if %cond3A_152 {
      %get3A_153 = arith.constant 0 : index
      %get3A_154 = arith.constant 0 : index
      %get3A_155 = memref.load %arg4[%get3A_153, %get3A_154] : memref<1x2xf32, #tpu.memory_space<smem>>
      %add3A_156 = arith.addf %get3A_155, %reduce_sum3A_139 : f32
      %swap3A_157 = arith.constant 0 : index
      %swap3A_158 = arith.constant 0 : index
      %swap3A_159 = memref.load %arg4[%swap3A_157, %swap3A_158] : memref<1x2xf32, #tpu.memory_space<smem>>
      memref.store %add3A_156, %arg4[%swap3A_157, %swap3A_158] : memref<1x2xf32, #tpu.memory_space<smem>>
      %get3A_160 = arith.constant 0 : index
      %get3A_161 = arith.constant 1 : index
      %get3A_162 = memref.load %arg4[%get3A_160, %get3A_161] : memref<1x2xf32, #tpu.memory_space<smem>>
      %add3A_163 = arith.addf %get3A_162, %reduce_sum3A_144 : f32
      %swap3A_164 = arith.constant 0 : index
      %swap3A_165 = arith.constant 1 : index
      %swap3A_166 = memref.load %arg4[%swap3A_164, %swap3A_165] : memref<1x2xf32, #tpu.memory_space<smem>>
      memref.store %add3A_163, %arg4[%swap3A_164, %swap3A_165] : memref<1x2xf32, #tpu.memory_space<smem>>
    } else {
    }
    return
  }
  func.func @transform_0(%arg0: i32) -> (i32, i32, i32, i32) {
    %c0_i32 = arith.constant 0 : i32
    %c0_i32_0 = arith.constant 0 : i32
    %c0_i32_1 = arith.constant 0 : i32
    %c0_i32_2 = arith.constant 0 : i32
    return %arg0, %c0_i32, %c0_i32_0, %c0_i32_1 : i32, i32, i32, i32
  }
  func.func @transform_1(%arg0: i32) -> (i32, i32) {
    %c0_i32 = arith.constant 0 : i32
    %c0_i32_0 = arith.constant 0 : i32
    %c0_i32_1 = arith.constant 0 : i32
    return %c0_i32, %c0_i32_0 : i32, i32
  }
  func.func @transform_2(%arg0: i32) -> (i32, i32) {
    %c0_i32 = arith.constant 0 : i32
    %c0_i32_0 = arith.constant 0 : i32
    return %arg0, %c0_i32 : i32, i32
  }
  func.func @transform_3(%arg0: i32) -> (i32, i32) {
    %c0_i32 = arith.constant 0 : i32
    %c0_i32_0 = arith.constant 0 : i32
    %c0_i32_1 = arith.constant 0 : i32
    return %c0_i32, %c0_i32_0 : i32, i32
  }
}

</mosaic_0001>

<sc_bundles>
// kernel: kernel.4.cloned.1.call-start
scs
__scs_entry_jumppad:
0x0: {  	(pc) =	sbr.rel $0x88, $3  }
0x1: {  	(tag) =	ssettag $0x0;
	lr =	simm.s32 $0x1  }
0x2: {  	[smem:$0x3F9F] =	sst lr;
	_ =	strace $0xD0000000  }
0x3: {  	_ = 	snop  }
0x4: {  	_ = 	snop  }
0x5: {  	_ = 	snop  }
0x6: {  	_ = 	snop  }
0x7: {  	_ = 	snop  }
__scs_overlays_trampoline_lowered:
0x8: {  	[smem:$0x3FAE] =	sst s0  }
0x9: {  	[smem:$0x3FAF] =	sst s1  }
0xa: {  	[smem:$0x3FB0] =	sst s2  }
0xb: {  	[smem:$0x3FB1] =	sst s3  }
0xc: {  	[smem:$0x3FB2] =	sst s4  }
0xd: {  	[smem:$0x3FB3] =	sst s5  }
0xe: {  	[smem:$0x3FB4] =	sst s6  }
0xf: {  	[smem:$0x3FB5] =	sst s7  }
0x10: {  	[smem:$0x3FB6] =	sst s8  }
0x11: {  	[smem:$0x3FB7] =	sst s9;
	s0 =	simm.s32 @!p0 $0x0  }
0x12: {  	s1 =	sld [smem:$0x3F9D];
	s0 =	simm.s32 @p0 $0x1  }
0x13: {  	[smem:$0x3FB8] =	sst s0;
	s0 =	simm.s32 @!p1 $0x0  }
0x14: {  	s2 =	sld [smem:$0x3F9C];
	s0 =	simm.s32 @p1 $0x1  }
0x15: {  	[smem:$0x3FB9] =	sst s0;
	s0 =	simm.s32 @!p2 $0x0  }
0x16: {  	s3 =	sld [smem:$0x3FDB];
	s0 =	simm.s32 @p2 $0x1  }
0x17: {  	s4 =	simm.s32 $0x1BF5;
	[smem:$0x3FBB] =	sst s0  }
0x18: {  	s0 =	sld [smem:$0x3F9E];
	_ =	swait.ge [sflag:s4], $0x0  }
0x19: {  	s7 =	sld [smem:$0x3F9F]  }
0x1a: {  	s8 =	sadd.s32 $0xFFFFE003, lr  }
0x1b: {  	s9 =	sadd.s32 $0xFFFFFEF7, lr;
	s5 =	simm.s32 $0xFFFFFFFF;
	p2 =	slt.u32 s8, $0xFFFFF086  }
0x1c: {  	p1 =	slt.u32 s9, $0xF7A;
	s5 =	simm.s32 @!p2 $0x0  }
0x1d: {  	s5 =	simm.s32 @p1 $0x1;
	p0 =	seq.s32 s7, s2  }
0x1e: {  	s7 =	smul.u32 @!p0 $0xF7A, s2;
	p2 =	seq.s32 @!p0 s5, $0x0  }
0x1f: {  	s9 =	smul.u32 $0xF7A, s1;
	s8 =	simm.s32 @!p0 $0x1BF5;
	p2 =	por !p2, p0  }
0x20: {  	[sflag:s8] =	ssyncset.s32 @!p0 $0xFFFFF086;
	s6 =	sadd.s32 @!p0 s3, s7;
	s7 =	simm.s32 @!p0 $0x108  }
0x21: {  	s3 =	sadd.s32 s3, s9;
	s6 =	sadd.s32 @!p0 $0x88, s6;
	s7 =	simm.s32 @p2 $0x1082  }
0x22: {  	[simem:s7], [sflag:s8] =	dma.local @!p0 [hbm:s6], $0xF7A  }
0x23: {  	s9 =	sor.u32 $0xD0000000, s2;
	s6 =	simm.s32 $0x108;
	_ =	swait.ge @!p0 [sflag:s8], $0x0  }
0x24: {  	s3 =	sadd.s32 $0x88, s3;
	s6 =	simm.s32 @!p1 $0x1082;
	[sflag:s4] =	ssyncset.s32 $0xFFFFF086  }
0x25: {  	[simem:s6], [sflag:s4] =	dma.local [hbm:s3], $0xF7A  }
0x26: {  	[smem:$0x3F9F] =	sst s1;
	(tag) =	ssettag s2;
	_ =	strace s9  }
0x27: {  	s1 =	sld [smem:$0x3FAF]  }
0x28: {  	s2 =	sld [smem:$0x3FB0]  }
0x29: {  	s4 =	sld [smem:$0x3FB2]  }
0x2a: {  	p0 =	seq.s32 s5, $0x0;
	s5 =	sld [smem:$0x3FB3]  }
0x2b: {  	s6 =	sld [smem:$0x3FB4]  }
0x2c: {  	s7 =	sld [smem:$0x3FB5]  }
0x2d: {  	s3 =	simm.s32 $0x108;
	s8 =	sld [smem:$0x3FB6]  }
0x2e: {  	s3 =	simm.s32 @!p0 $0x1082;
	s9 =	sld [smem:$0x3FB7]  }
0x2f: {  	lr =	sadd.s32 s0, s3;
	s0 =	sld [smem:$0x3FAE]  }
0x30: {  	s3 =	sld [smem:$0x3FB1]  }
0x31: {  	[smem:$0x3FBA] =	sst s10  }
0x32: {  	s10 =	sld [smem:$0x3FB8];
	_ =	sdelay $0x3  }
0x33: {  	p0 =	seq.s32 s10, $0x1;
	s10 =	sld [smem:$0x3FBA];
	_ =	sdelay $0x3  }
0x34: {  	[smem:$0x3FBA] =	sst s10  }
0x35: {  	s10 =	sld [smem:$0x3FB9];
	_ =	sdelay $0x3  }
0x36: {  	p1 =	seq.s32 s10, $0x1;
	s10 =	sld [smem:$0x3FBA];
	_ =	sdelay $0x3  }
0x37: {  	[smem:$0x3FBA] =	sst s10  }
0x38: {  	s10 =	sld [smem:$0x3FBB]  }
0x39: {  	_ = 	snop;
	(pc) =	sbr.ind lr, $3  }
0x3a: {  	_ = 	snop  }
0x3b: {  	_ = 	snop  }
0x3c: {  	p2 =	seq.s32 s10, $0x1;
	s10 =	sld [smem:$0x3FBA]  }
0x3d: {  	_ =	shalt  }
0x3e: {  	_ =	shalt  }
0x3f: {  	_ =	shalt  }
0x40: {  	_ =	shalt  }
0x41: {  	_ =	shalt  }
0x42: {  	_ =	shalt  }
0x43: {  	_ =	shalt  }
0x44: {  	_ =	shalt  }
0x45: {  	_ =	shalt  }
0x46: {  	_ =	shalt  }
0x47: {  	_ =	shalt  }
0x48: {  	_ =	shalt  }
0x49: {  	_ =	shalt  }
0x4a: {  	_ =	shalt  }
0x4b: {  	_ =	shalt  }
0x4c: {  	_ =	shalt  }
0x4d: {  	_ =	shalt  }
0x4e: {  	_ =	shalt  }
0x4f: {  	_ =	shalt  }
0x50: {  	_ =	shalt  }
0x51: {  	_ =	shalt  }
0x52: {  	_ =	shalt  }
0x53: {  	_ =	shalt  }
0x54: {  	_ =	shalt  }
0x55: {  	_ =	shalt  }
0x56: {  	_ =	shalt  }
0x57: {  	_ =	shalt  }
0x58: {  	_ =	shalt  }
0x59: {  	_ =	shalt  }
0x5a: {  	_ =	shalt  }
0x5b: {  	_ =	shalt  }
0x5c: {  	_ =	shalt  }
0x5d: {  	_ =	shalt  }
0x5e: {  	_ =	shalt  }
0x5f: {  	_ =	shalt  }
0x60: {  	_ =	shalt  }
0x61: {  	_ =	shalt  }
0x62: {  	_ =	shalt  }
0x63: {  	_ =	shalt  }
0x64: {  	_ =	shalt  }
0x65: {  	_ =	shalt  }
0x66: {  	_ =	shalt  }
0x67: {  	_ =	shalt  }
0x68: {  	_ =	shalt  }
0x69: {  	_ =	shalt  }
0x6a: {  	_ =	shalt  }
0x6b: {  	_ =	shalt  }
0x6c: {  	_ =	shalt  }
0x6d: {  	_ =	shalt  }
0x6e: {  	_ =	shalt  }
0x6f: {  	_ =	shalt  }
0x70: {  	_ =	shalt  }
0x71: {  	_ =	shalt  }
0x72: {  	_ =	shalt  }
0x73: {  	_ =	shalt  }
0x74: {  	_ =	shalt  }
0x75: {  	_ =	shalt  }
0x76: {  	_ =	shalt  }
0x77: {  	_ =	shalt  }
0x78: {  	_ =	shalt  }
0x79: {  	_ =	shalt  }
0x7a: {  	_ =	shalt  }
0x7b: {  	_ =	shalt  }
0x7c: {  	_ =	shalt  }
0x7d: {  	_ =	shalt  }
0x7e: {  	_ =	shalt  }
0x7f: {  	_ =	shalt  }
0x80: {  	_ =	shalt  }
0x81: {  	_ =	shalt  }
0x82: {  	_ =	shalt  }
0x83: {  	_ =	shalt  }
0x84: {  	_ =	shalt  }
0x85: {  	_ =	shalt  }
0x86: {  	_ =	shalt  }
0x87: {  	_ =	shalt  }
.Lfunc_end0:
.L_simem_size_0:
called_computation_lowered:
.L_overlay_start_0:
0x88: {  	s2 =	sld [smem:$0x3FD9]  }
0x89: {  	s3 =	sld [smem:$0x3FFE];
	_ =	sdelay $0x1  }
0x8a: {  	s1 =	srdreg.scid  }
0x8b: {  	s0 =	sand.u32 $0x1, s1  }
0x8c: {  	s14 =	sshll.u32 s0, $0xA;
	s2 =	sadd.s32 s3, s2  }
0x8d: {  	s2 =	sadd.s32 s2, s14  }
0x8e: {  	[smem:$0x3FC6] =	sst s2  }
0x8f: {  	_ = 	snop  }
0x90: {  	s2 =	sld [smem:$0x3FD0];
	_ =	sdelay $0x2  }
0x91: {  	s15 =	simm.s32 $0xA;
	s4 =	simm.s32 $0x10  }
0x92: {  	[smem:s4], [sflag:s15] =	dma.local [hbm:s2], $0x1  }
0x93: {  	_ =	swait.eq [sflag:s15], $0x1  }
0x94: {  	[sflag:s15] =	ssyncset.done $0x0  }
0x95: {  	[sflag:s15] =	ssyncadd.s32 $0xFFFFFFFF  }
0x96: {  	s16 =	sld [smem:$0x10];
	(tm) =	ssettm $0x1  }
0x97: {  	s17 =	sld [smem:$0x3FFB];
	_ =	sdelay $0x3  }
0x98: {  	_ =	strace s17  }
0x99: {  	s3 =	sld [smem:$0x3FFC];
	_ =	sdelay $0x3  }
0x9a: {  	_ =	strace s3  }
0x9b: {  	s3 =	sld [smem:$0x3FFD];
	_ =	sdelay $0x3  }
0x9c: {  	_ =	strace s3  }
0x9d: {  	_ =	strace $0x8FFFFFFF  }
0x9e: {  	s18 =	sld [smem:$0x3FDB];
	_ =	sdelay $0x1  }
0x9f: {  	s19 =	simm.s32 $_scs_section_size  }
0xa0: {  	s5 =	simm.s32 $_size__tile_overlayer_lowered;
	s6 =	simm.s32 $_tile_overlayer_lowered  }
0xa1: {  	s22 =	simm.s32 $0x1BFF;
	s21 =	sshll.u32 s6, $0x1;
	s3 =	sadd.s32 s19, s18  }
0xa2: {  	s7 =	simm.s32 $0x0;
	s20 =	sshll.u32 s5, $0x1;
	s5 =	sadd.s32 s21, s3  }
0xa3: {  	[timem:s7], [sflag:s22] =	dma.local [hbm:s5], s20  }
0xa4: {  	_ =	swait.ge [sflag:s22], s20  }
0xa5: {  	s4 =	ssub.s32 $0x0, s20;
	[sflag:s22] =	ssyncset.done $0x0  }
0xa6: {  	[sflag:s22] =	ssyncadd.s32 s4;
	_ =	sdelay $0x1  }
0xa7: {  	s23 =	simm.s32 $0x1B8B  }
0xa8: {  	_ =	swait.ge [sflag:s23], $0x1  }
0xa9: {  	[sflag:s23] =	ssyncset.done $0x0  }
0xaa: {  	s25 =	simm.s32 $0x1B8E;
	s24 =	sld [smem:$0x3FFE];
	[sflag:s23] =	ssyncadd.s32 $0xFFFFFFFF  }
0xab: {  	s26 =	simm.s32 $execute0_lowered;
	[smem:$0x3FD2] =	sst s25  }
0xac: {  	s5 =	sshll.u32 s26, $0x1;
	_ =	strace $0x80000046;
	[dreg:$0x1] =	wrdreg $0xFFFFFFFF  }
0xad: {  	s28 =	simm.s32 $_size_execute0_lowered;
	s3 =	sadd.s32 s3, s5;
	[dreg:$0x0] =	wrdreg $0x0  }
0xae: {  	s5 =	sshll.u32 s28, $0x1;
	[dreg:$0x2] =	wrdreg s3  }
0xaf: {  	[dreg:$0x3] =	wrdreg s5  }
0xb0: {  	[dreg:$0x4] =	wrdreg $0xC0  }
0xb1: {  	_ =	task [dreg:s7], $0x5FFFF  }
0xb2: {  	[dreg:$0x1] =	wrdreg $0xFFFFFFFF  }
0xb3: {  	[dreg:$0x0] =	wrdreg $0x60  }
0xb4: {  	[dreg:$0x2] =	wrdreg s16  }
0xb5: {  	[dreg:$0x3] =	wrdreg s24  }
0xb6: {  	[dreg:$0x4] =	wrdreg $0x9  }
0xb7: {  	_ =	task.clear_ibuf [dreg:s7], $0x5FFFF;
	_ =	strace $0x90000046  }
0xb8: {  	s29 =	simm.s32 $0x9;
	_ =	strace $0x80000048  }
0xb9: {  	_ =	swait.ge [sflag:s29], $0x1  }
0xba: {  	[sflag:s29] =	ssyncadd.s32 $0xFFFFFFFF  }
0xbb: {  	_ =	strace $0x90000048  }
0xbc: {  	_ =	sfence  }
0xbd: {  	s30 =	sld [smem:$0x0];
	_ =	sdelay $0x2  }
0xbe: {  	s31 =	sshll.u32 s1, $0xD;
	s1 =	sshrl.u32 s1, $0x2  }
0xbf: {  	s3 =	sand.u32 $0x4000, s31;
	s1 =	sadd.s32 s1, s30  }
0xc0: {  	s0 =	sor.u32 s3, s0;
	s1 =	sshll.u32 s1, $0x11  }
0xc1: {  	s0 =	sor.u32 s1, s0  }
0xc2: {  	s0 =	sadd.s32 $0x8F2B, s0  }
0xc3: {  	[sflag:s0] =	ssyncadd.remote.s32 $0x1  }
0xc4: {  	_ =	sfence.sel $0xFFFF  }
0xc5: {  	[dreg:$0x0] =	wrdreg $0xFFFFFFFF;
	(pc) =	sbr.abs _section_cstart, $3  }
0xc6: {  	[dreg:$0x1] =	wrdreg $0xFFFFFFFF  }
0xc7: {  	_ =	task.clear_ibuf [dreg:s7], $0x2FFFF;
	_ =	strace $0x9FFFFFFF  }
0xc8: {  	(tm) =	ssettm $0x7FFFFFFF  }
0xc9: {  	_ =	shalt  }
tec
execute0_lowered:
.L_overlay_start_1:
0x0: {  	(tag) =	ssettag $0x1  }
0x1: {  	s2 =	rddreg [dreg:$0x0];
	s1 =	srdreg.scid  }
0x2: {  	s0 =	stileid.u32;
	s4 =	rddreg [dreg:$0x1]  }
0x3: {  	s3 =	simm.s32 $0x0;
	s11 =	simm.s32 $0x2100;
	s12 =	simm.s32 $0x1  }
0x4: {  	s13 =	simm.s32 $0x4100;
	s5 =	sand.u32 $0x1, s1;
	s1 =	rddreg [dreg:$0x2]  }
0x5: {  	s14 =	simm.s32 $0x0;
	s6 =	sshll.u32 s0, $0x1;
	[smem:$0x7FF] =	sst s3  }
0x6: {  	s6 =	sor.u32 s5, s6;
	_ =	strace $0x80000047;
	s5 =	ssub.s32 $0x2, s5  }
0x7: {  	s7 =	sshll.u32 s6, $0x5;
	s8 =	sshll.u32 s6, $0xA;
	s6 =	sshll.u32 s6, $0x1  }
0x8: {  	s31 =	sshrl.u32 s5, $0x1;
	s7 =	sadd.s32 s7, s4;
	s8 =	sadd.s32 s8, s4  }
0x9: {  	s9 =	sadd.s32 s6, s4;
	s10 =	ssub.s32 s5, s31;
	s4 =	sadd.s32 $0x8600, s7  }
0xa: {  	s5 =	sadd.s32 $0x600, s8;
	s6 =	sadd.s32 $0x8C00, s8;
	s7 =	sadd.s32 $0x8A00, s9  }
0xb: {  	s8 =	smax.u32 s10, $0x1;
	s9 =	simm.s32 $0x2;
	s10 =	simm.s32 $0x100  }
.LBB2_1:
0xc: {  	[tilespmem:s3], [sflag:$0x2] =	stream.linear.gather [hbm4b:s4+s3], $0x100, $0x38;
	[tilespmem:$0x4110] =	vst v63  }
0xd: {  	_ =	swait.ge [sflag:s9], $0x100  }
0xe: {  	[sflag:s9] =	ssyncset.done $0x0  }
0xf: {  	[sflag:s9] =	ssyncadd.s32 $0xFFFFFF00  }
0x10: {  	[tilespmem:s10], [sflag:$0x1] =	stream.indirect.gather [hbm4b:s2+s10], $0x20, s3, s10, $0xb8;
	[tilespmem:$0x4110] =	vst v63  }
0x11: {  	_ = 	snop  }
0x12: {  	[tilespmem:s11], [sflag:$0x2] =	stream.linear.gather [hbm4b:s5+s3], $0x2000, $0x38;
	[tilespmem:$0x4110] =	vst v63  }
0x13: {  	_ =	swait.ge [sflag:s9], $0x2000  }
0x14: {  	[sflag:s9] =	ssyncset.done $0x0  }
0x15: {  	[sflag:s9] =	ssyncadd.s32 $0xFFFFE000  }
0x16: {  	_ =	swait.ge [sflag:s12], $0x2000  }
0x17: {  	[sflag:s12] =	ssyncset.done $0x0  }
0x18: {  	v2 =	vimm.f32 $0.0e+00;
	[sflag:s12] =	ssyncadd.s32 $0xFFFFE000  }
0x19: {  	s15 =	simm.s32 $0x0;
	[tilespmem:$0x4100] =	vst v2  }
0x1a: {  	v1 =	vld [tilespmem:s15+$0x2100]  }
0x1b: {  	v0 =	vld [tilespmem:s15+$0x2110]  }
0x1c: {  	s16 =	simm.s32 $0x80;
	v3 =	vld [tilespmem:s15+$0x100]  }
.LBB2_2:
0x1d: {  	p0 =	sne.s32 s16, $0x7F80;
	v4 =	vld [tilespmem:s15+$0x110];
	_ =	sdelay $0x3  }
0x1e: {  	v5 =	vsub.f32 v3, v1;
	v2 =	vadd.f32 v3, v2  }
.Ltmp0:
0x1f: {  	v3 =	vsub.f32 v4, v0;
	(pc) =	sbr.rel @p0 .LBB2_2-.Ltmp0, $4  }
0x20: {  	s17 =	sshra.s32 s16, $0x2;
	v5 =	vadd.f32 v5, v1;
	v2 =	vadd.f32 v4, v2  }
0x21: {  	v1 =	vld [tilespmem:s17+$0x2100];
	v4 =	vadd.f32 v3, v0  }
0x22: {  	v0 =	vld [tilespmem:s17+$0x2110];
	[tilespmem:s15+$0x100] =	vst v5  }
0x23: {  	s16 =	sadd.s32 $0x80, s16;
	v3 =	vld [tilespmem:s17+$0x100];
	[tilespmem:s15+$0x110] =	vst v4;
	s15 =	smov.u32 s17  }
0x24: {  	v4 =	vld [tilespmem:s15+$0x110];
	_ =	sdelay $0x3  }
0x25: {  	v5 =	vsub.f32 v3, v1  }
0x26: {  	v6 =	vsub.f32 v4, v0  }
0x27: {  	v2 =	vadd.f32 v3, v2;
	v1 =	vadd.f32 v5, v1  }
0x28: {  	v0 =	vadd.f32 v6, v0  }
0x29: {  	v2 =	vadd.f32 v4, v2;
	[tilespmem:s15+$0x100] =	vst v1  }
0x2a: {  	[tilespmem:s15+$0x110] =	vst v0  }
0x2b: {  	[tilespmem:$0x4100] =	vst v2  }
0x2c: {  	[hbm4b:s6+s3] =	stream.linear.scatter [tilespmem:s10], [sflag:$0x2], $0x2000, $0x38;
	[tilespmem:$0x4110] =	vst v63  }
0x2d: {  	s14 =	sadd.s32 $0x1, s14;
	_ =	swait.ge [sflag:s9], $0x2000  }
0x2e: {  	p0 =	sne.s32 s14, s8;
	[sflag:s9] =	ssyncset.done $0x0  }
.Ltmp1:
0x2f: {  	[sflag:s9] =	ssyncadd.s32 $0xFFFFE000;
	(pc) =	sbr.rel @p0 .LBB2_1-.Ltmp1, $4  }
0x30: {  	[hbm4b:s7+s3] =	stream.linear.scatter [tilespmem:s13], [sflag:$0x2], $0x10, $0x38;
	[tilespmem:$0x4110] =	vst v63  }
0x31: {  	_ =	swait.ge [sflag:s9], $0x10  }
0x32: {  	[sflag:s9] =	ssyncset.done $0x0  }
0x33: {  	[sflag:s9] =	ssyncadd.s32 $0xFFFFFFF0  }
0x34: {  	_ =	sfence.sel $0x180000  }
0x35: {  	[bflag:$0x0] =	sbarrier.arrive $0xFFFF  }
0x36: {  	p0 =	sne.s32 s0, $0x0;
	_ =	strace $0x90000047  }
0x37: {  	s0 =	sadd.s32 @!p0 $0x100000, s1;
	[bflag:$0x2] =	sbarrier.arrive $0xFFFF  }
0x38: {  	[sflag:s0] =	ssyncadd.tile.s32 @!p0 $0x1;
	_ =	shalt  }
.Lfunc_end2:
_tile_overlayer_lowered:
.L_overlay_start_2:
0x39: {  	(tag) =	ssettag $0x2  }
0x3a: {  	s0 =	rddreg [dreg:$0x0];
	s2 =	stileid.u32  }
0x3b: {  	s1 =	rddreg [dreg:$0x1];
	p0 =	sne.s32 s2, $0x0  }
0x3c: {  	s3 =	rddreg [dreg:$0x2];
	[bflag:$0x3] =	sbarrier.arrive $0xFFFF;
	s2 =	simm.s32 @!p0 $0x1C02  }
0x3d: {  	[timem:s3], [sflag:s2] =	dma.local @!p0 [hbm:s0], s1  }
0x3e: {  	s0 =	simm.s32 @!p0 $0x2  }
0x3f: {  	_ =	swait.ge @!p0 [sflag:s0], s1  }
0x40: {  	s1 =	ssub.s32 @!p0 $0x0, s1;
	[sflag:s0] =	ssyncset.done @!p0 $0x0  }
0x41: {  	[sflag:s0] =	ssyncadd.s32 @!p0 s1  }
0x42: {  	[bflag:$0x3] =	sbarrier.arrive $0xFFFF  }
0x43: {  	_ =	shalt  }

</sc_bundles>
